<compile_context>
chip_gen: v7x
topology: tpu7x:2x2x1
jax: 0.10.2.dev20260603
libtpu: 0.0.44.dev20260713+nightly
codegen_flags: <defaults>
</compile_context>

<pallas_src>
import functools

import jax
import jax.numpy as jnp
from jax import lax
from jax.experimental import pallas as pl
from jax.experimental.pallas import tpu as pltpu
from jax.experimental.pallas import tpu_sc as plsc

_DIM = 32
_K = 8192
_TILE_N = 1024

_SC_CORES = 2
_SC_SUBCORES = 16
_ROW = 128


def _argmax_body(x_ref, emb_ref, idx_ref, tab_ref, en_ref):
    i = pl.program_id(0)

    @pl.when(i == 0)
    def _():
        emb = emb_ref[...]
        en_ref[...] = emb / jnp.maximum(
            jnp.sqrt(jnp.sum(emb * emb, axis=-1, keepdims=True)), 1e-12)

    x = x_ref[0]
    xn = x / jnp.maximum(jnp.sqrt(jnp.sum(x * x, axis=-1, keepdims=True)), 1e-12)
    dist = jax.lax.dot_general(xn, en_ref[...], (((1,), (1,)), ((), ())),
                               preferred_element_type=jnp.float32)
    idx_ref[0, 0] = jnp.argmax(dist, axis=-1).astype(jnp.int32)
    rows = emb_ref[pl.ds(i * _TILE_N, _TILE_N), :]
    tab_ref[...] = jnp.pad(rows, ((0, 0), (0, _ROW - _DIM)))


def _nearest_code_indices(x3, embeddings, nb):
    return pl.pallas_call(
        _argmax_body,
        grid=(nb,),
        in_specs=[
            pl.BlockSpec((1, _TILE_N, _DIM), lambda i: (i, 0, 0)),
            pl.BlockSpec((_K, _DIM), lambda i: (0, 0)),
        ],
        out_specs=[
            pl.BlockSpec((1, 1, _TILE_N), lambda i: (i, 0, 0)),
            pl.BlockSpec((_TILE_N, _ROW), lambda i: (i, 0)),
        ],
        out_shape=[
            jax.ShapeDtypeStruct((nb, 1, _TILE_N), jnp.int32),
            jax.ShapeDtypeStruct((_K, _ROW), jnp.float32),
        ],
        scratch_shapes=[pltpu.VMEM((_K, _DIM), jnp.float32)],
    )(x3, embeddings)


def _make_sc_gather(n_rows, nb):
    nw = _SC_CORES * _SC_SUBCORES
    b_per_w = n_rows // nw
    chunk = 128
    n_chunks = b_per_w // chunk
    blocks_per_w = _TILE_N // b_per_w
    mesh = plsc.VectorSubcoreMesh(core_axis_name="c", subcore_axis_name="s")

    tok_cols = 1024

    @functools.partial(
        pl.kernel, mesh=mesh,
        out_type=[
            jax.ShapeDtypeStruct((n_rows, _ROW), jnp.float32),
            jax.ShapeDtypeStruct((n_rows // tok_cols, tok_cols), jnp.int32),
        ],
        scratch_types=[
            pltpu.VMEM((b_per_w,), jnp.int32),
            pltpu.VMEM((b_per_w, _ROW), jnp.float32),
            pltpu.SemaphoreType.DMA,
        ],
    )
    def gather_rows(table_hbm, idx_hbm, out_hbm, oidx_hbm, idx_v, rows_v, sem):
        wid = lax.axis_index("s") * _SC_CORES + lax.axis_index("c")
        blk = wid // blocks_per_w
        off = (wid % blocks_per_w) * b_per_w
        pltpu.sync_copy(idx_hbm.at[blk, 0, pl.ds(off, b_per_w)], idx_v)
        copies = [
            pltpu.async_copy(table_hbm.at[idx_v.at[pl.ds(j * chunk, chunk)]],
                             rows_v.at[pl.ds(j * chunk, chunk)], sem)
            for j in range(n_chunks)
        ]
        base = wid * b_per_w
        row = base // tok_cols
        col = base % tok_cols
        pltpu.sync_copy(idx_v, oidx_hbm.at[row, pl.ds(col, b_per_w)])
        for c in copies:
            c.wait()
        pltpu.sync_copy(rows_v, out_hbm.at[pl.ds(base, b_per_w)])

    return gather_rows


def kernel(x, embeddings):
    shape = x.shape
    n = x.size // shape[-1]
    nb = n // _TILE_N
    x3 = x.reshape(nb, _TILE_N, _DIM)
    idx, table = _nearest_code_indices(x3, embeddings, nb)
    quantized, oidx = _make_sc_gather(n, nb)(table, idx)
    return quantized[:, :_DIM].reshape(shape), oidx.reshape(shape[:-1])

# --- scband reference (transcript-rebuilt; emitter-appended) ---
"""Pipeline reference for scband-cosine-similarity-codebook-10101763080202 (READ-ONLY COPY).

The authoritative reference and input builder live on the scoring server;
editing this copy changes nothing except your own understanding.
"""

import jax, jax.numpy as jnp
import numpy as np

DIM = 32
CODEBOOK_SIZE = 8192


def l2norm(x, eps=1e-12):
    # matches torch.nn.functional.normalize(x, dim=-1)
    n = jnp.linalg.norm(x, axis=-1, keepdims=True)
    return x / jnp.maximum(n, eps)


def setup_inputs(seed: int = 0) -> dict:
    key = jax.random.key(seed)
    k1, k2 = jax.random.split(key)
    x = jax.random.normal(k1, (8, 1024, DIM), dtype=jnp.float32)
    # buffer: embeddings initialized as norm(randn(K, d)) since kmeans_init=False
    embeddings = l2norm(jax.random.normal(k2, (CODEBOOK_SIZE, DIM), dtype=jnp.float32))
    return {"x": x, "embeddings": embeddings}


def reference(x, embeddings):
    # inference path of CosineSimilarityCodebook.forward (temperature=0 -> argmax)
    shape = x.shape
    flatten = x.reshape(-1, shape[-1])
    flatten = l2norm(flatten)
    emb_n = l2norm(embeddings)
    dist = flatten @ emb_n.T                      # [N, K] cosine similarities
    indices = jnp.argmax(dist, axis=-1)           # gumbel_sample with temperature=0.0
    indices = indices.reshape(shape[:-1])
    quantized = jnp.take(embeddings, indices, axis=0)  # F.embedding gather
    return quantized, indices

if __name__ == "__main__":
    import jax
    _d = setup_inputs()
    print(jax.jit(kernel)(*tuple(_d.values())))

</pallas_src>

<mosaic_0001>
#map = affine_map<(d0, d1) -> (0, 0)>
#map1 = affine_map<(d0, d1) -> (0, 0, 0)>
module attributes {stable_mosaic.version = 14 : i64} {
  func.func @gather_rows(%arg0: i32, %arg1: i32, %arg2: memref<8192x128xf32, #tpu.memory_space<hbm>>, %arg3: memref<8x1x1024xi32, #tpu.memory_space<hbm>>, %arg4: memref<8192x128xf32, #tpu.memory_space<hbm>>, %arg5: memref<8x1024xi32, #tpu.memory_space<hbm>>, %arg6: memref<256xi32, #tpu.memory_space<vmem>>, %arg7: memref<256x128xf32, #tpu.memory_space<vmem>>, %arg8: memref<!tpu.dma_semaphore, #tpu.memory_space<semaphore_mem>>) attributes {dimension_semantics = [#tpu.dimension_semantics<core_parallel>, #tpu.dimension_semantics<subcore_parallel>], iteration_bounds = array<i64: 2, 16>, scalar_prefetch = 0 : i64, scratch_operands = 3 : i64, tpu.core_type = #tpu.core_type<sc_vector_subcore>, window_params = [{transform_indices = #map}, {transform_indices = #map1}, {transform_indices = #map}, {transform_indices = #map}]} {
    %mul3A = arith.constant 2 : i32
    %mul3A_0 = arith.muli %arg1, %mul3A : i32
    %add3A = arith.addi %mul3A_0, %arg0 : i32
    %jit3A = arith.constant 4 : i32
    %div3A = arith.divsi %add3A, %jit3A : i32
    %sign3A = arith.constant 0 : i32
    %sign3A_1 = arith.cmpi sgt, %add3A, %sign3A : i32
    %sign3A_2 = arith.extui %sign3A_1 : i1 to i32
    %sign3A_3 = arith.constant 0 : i32
    %sign3A_4 = arith.cmpi slt, %add3A, %sign3A_3 : i32
    %sign3A_5 = arith.extui %sign3A_4 : i1 to i32
    %sign3A_6 = arith.subi %sign3A_2, %sign3A_5 : i32
    %sign3A_7 = arith.constant 0 : i32
    %sign3A_8 = arith.cmpi sgt, %jit3A, %sign3A_7 : i32
    %sign3A_9 = arith.extui %sign3A_8 : i1 to i32
    %sign3A_10 = arith.constant 0 : i32
    %sign3A_11 = arith.cmpi slt, %jit3A, %sign3A_10 : i32
    %sign3A_12 = arith.extui %sign3A_11 : i1 to i32
    %sign3A_13 = arith.subi %sign3A_9, %sign3A_12 : i32
    %ne3A = arith.cmpi ne, %sign3A_6, %sign3A_13 : i32
    %rem3A = arith.remsi %add3A, %jit3A : i32
    %ne3A_14 = arith.constant 0 : i32
    %ne3A_15 = arith.cmpi ne, %rem3A, %ne3A_14 : i32
    %and3A = arith.andi %ne3A, %ne3A_15 : i1
    %sub3A = arith.constant 1 : i32
    %sub3A_16 = arith.subi %div3A, %sub3A : i32
    %select_n3A = arith.select %and3A, %sub3A_16, %div3A : i32
    %jit3A_17 = arith.constant 4 : i32
    %eq3A = arith.constant 0 : i32
    %eq3A_18 = arith.cmpi eq, %jit3A_17, %eq3A : i32
    %jit3A_19 = arith.constant 1 : i32
    %select_n3A_20 = arith.select %eq3A_18, %jit3A_19, %jit3A_17 : i32
    %rem3A_21 = arith.remsi %add3A, %select_n3A_20 : i32
    %ne3A_22 = arith.constant 0 : i32
    %ne3A_23 = arith.cmpi ne, %rem3A_21, %ne3A_22 : i32
    %lt3A = arith.constant 0 : i32
    %lt3A_24 = arith.cmpi slt, %rem3A_21, %lt3A : i32
    %lt3A_25 = arith.constant 0 : i32
    %lt3A_26 = arith.cmpi slt, %select_n3A_20, %lt3A_25 : i32
    %ne3A_27 = arith.xori %lt3A_24, %lt3A_26 : i1
    %and3A_28 = arith.andi %ne3A_27, %ne3A_23 : i1
    %add3A_29 = arith.addi %rem3A_21, %select_n3A_20 : i32
    %select_n3A_30 = arith.select %and3A_28, %add3A_29, %rem3A_21 : i32
    %mul3A_31 = arith.constant 256 : i32
    %mul3A_32 = arith.muli %select_n3A_30, %mul3A_31 : i32
    %run_scoped3A = arith.constant 0 : i32
    "tpu.region"() ({
      %run_scoped3A_105 = tpu.sem_alloc : memref<!tpu.dma_semaphore, #tpu.memory_space<semaphore_mem>>
      %dma_start3A_106 = tpu.memref_slice %arg3[%select_n3A, %run_scoped3A, %mul3A_32] : memref<8x1x1024xi32, #tpu.memory_space<hbm>> -> memref<1x1x256xi32, #tpu.memory_space<hbm>>
      %dma_start3A_107 = tpu.memref_squeeze %dma_start3A_106 : memref<1x1x256xi32, #tpu.memory_space<hbm>> -> memref<256xi32, #tpu.memory_space<hbm>>
      %dma_start3A_108 = tpu.memref_slice %arg3[%select_n3A, %run_scoped3A, %mul3A_32] : memref<8x1x1024xi32, #tpu.memory_space<hbm>> -> memref<1x1x256xi32, #tpu.memory_space<hbm>>
      %dma_start3A_109 = tpu.memref_squeeze %dma_start3A_108 : memref<1x1x256xi32, #tpu.memory_space<hbm>> -> memref<256xi32, #tpu.memory_space<hbm>>
      tpu.enqueue_dma source(%dma_start3A_109 : memref<256xi32, #tpu.memory_space<hbm>>) target(%arg6 : memref<256xi32, #tpu.memory_space<vmem>>) target_semaphore(%run_scoped3A_105 : memref<!tpu.dma_semaphore, #tpu.memory_space<semaphore_mem>>)
      %dma_wait3A_110 = tpu.memref_slice %arg3[%select_n3A, %run_scoped3A, %mul3A_32] : memref<8x1x1024xi32, #tpu.memory_space<hbm>> -> memref<1x1x256xi32, #tpu.memory_space<hbm>>
      %dma_wait3A_111 = tpu.memref_squeeze %dma_wait3A_110 : memref<1x1x256xi32, #tpu.memory_space<hbm>> -> memref<256xi32, #tpu.memory_space<hbm>>
      %dma_wait3A_112 = tpu.memref_slice %arg3[%select_n3A, %run_scoped3A, %mul3A_32] : memref<8x1x1024xi32, #tpu.memory_space<hbm>> -> memref<1x1x256xi32, #tpu.memory_space<hbm>>
      %dma_wait3A_113 = tpu.memref_squeeze %dma_wait3A_112 : memref<1x1x256xi32, #tpu.memory_space<hbm>> -> memref<256xi32, #tpu.memory_space<hbm>>
      tpu.wait_dma2 semaphore(%run_scoped3A_105 : memref<!tpu.dma_semaphore, #tpu.memory_space<semaphore_mem>>) src(%dma_wait3A_113 : memref<256xi32, #tpu.memory_space<hbm>>) dst(%arg6 : memref<256xi32, #tpu.memory_space<vmem>>)
      tpu.yield
    }) : () -> ()
    %dma_start3A = arith.constant 0 : i32
    %dma_start3A_33 = arith.constant 0 : i32
    %dma_start3A_34 = tpu.memref_slice %arg7[%dma_start3A, %dma_start3A_33] : memref<256x128xf32, #tpu.memory_space<vmem>> -> memref<128x128xf32, #tpu.memory_space<vmem>>
    %dma_start3A_35 = arith.constant 0 : i32
    %dma_start3A_36 = tpu.memref_slice %arg6[%dma_start3A_35] : memref<256xi32, #tpu.memory_space<vmem>> -> memref<128xi32, #tpu.memory_space<vmem>>
    %dma_start3A_37 = arith.constant 0 : i32
    %dma_start3A_38 = arith.constant 0 : i32
    %dma_start3A_39 = tpu.memref_slice %arg2[%dma_start3A_37, %dma_start3A_38] : memref<8192x128xf32, #tpu.memory_space<hbm>> -> memref<8192x128xf32, #tpu.memory_space<hbm>>
    tpu.enqueue_indirect_dma source(%dma_start3A_39 : memref<8192x128xf32, #tpu.memory_space<hbm>>) target(%dma_start3A_34 : memref<128x128xf32, #tpu.memory_space<vmem>>) offsets(%dma_start3A_36 : memref<128xi32, #tpu.memory_space<vmem>>) semaphore(%arg8 : memref<!tpu.dma_semaphore, #tpu.memory_space<semaphore_mem>>)
    %dma_start3A_40 = arith.constant 128 : i32
    %dma_start3A_41 = arith.constant 0 : i32
    %dma_start3A_42 = tpu.memref_slice %arg7[%dma_start3A_40, %dma_start3A_41] : memref<256x128xf32, #tpu.memory_space<vmem>> -> memref<128x128xf32, #tpu.memory_space<vmem>>
    %dma_start3A_43 = arith.constant 128 : i32
    %dma_start3A_44 = tpu.memref_slice %arg6[%dma_start3A_43] : memref<256xi32, #tpu.memory_space<vmem>> -> memref<128xi32, #tpu.memory_space<vmem>>
    %dma_start3A_45 = arith.constant 0 : i32
    %dma_start3A_46 = arith.constant 0 : i32
    %dma_start3A_47 = tpu.memref_slice %arg2[%dma_start3A_45, %dma_start3A_46] : memref<8192x128xf32, #tpu.memory_space<hbm>> -> memref<8192x128xf32, #tpu.memory_space<hbm>>
    tpu.enqueue_indirect_dma source(%dma_start3A_47 : memref<8192x128xf32, #tpu.memory_space<hbm>>) target(%dma_start3A_42 : memref<128x128xf32, #tpu.memory_space<vmem>>) offsets(%dma_start3A_44 : memref<128xi32, #tpu.memory_space<vmem>>) semaphore(%arg8 : memref<!tpu.dma_semaphore, #tpu.memory_space<semaphore_mem>>)
    %mul3A_48 = arith.constant 256 : i32
    %mul3A_49 = arith.muli %add3A, %mul3A_48 : i32
    %jit3A_50 = arith.constant 1024 : i32
    %div3A_51 = arith.divsi %mul3A_49, %jit3A_50 : i32
    %sign3A_52 = arith.constant 0 : i32
    %sign3A_53 = arith.cmpi sgt, %mul3A_49, %sign3A_52 : i32
    %sign3A_54 = arith.extui %sign3A_53 : i1 to i32
    %sign3A_55 = arith.constant 0 : i32
    %sign3A_56 = arith.cmpi slt, %mul3A_49, %sign3A_55 : i32
    %sign3A_57 = arith.extui %sign3A_56 : i1 to i32
    %sign3A_58 = arith.subi %sign3A_54, %sign3A_57 : i32
    %sign3A_59 = arith.constant 0 : i32
    %sign3A_60 = arith.cmpi sgt, %jit3A_50, %sign3A_59 : i32
    %sign3A_61 = arith.extui %sign3A_60 : i1 to i32
    %sign3A_62 = arith.constant 0 : i32
    %sign3A_63 = arith.cmpi slt, %jit3A_50, %sign3A_62 : i32
    %sign3A_64 = arith.extui %sign3A_63 : i1 to i32
    %sign3A_65 = arith.subi %sign3A_61, %sign3A_64 : i32
    %ne3A_66 = arith.cmpi ne, %sign3A_58, %sign3A_65 : i32
    %rem3A_67 = arith.remsi %mul3A_49, %jit3A_50 : i32
    %ne3A_68 = arith.constant 0 : i32
    %ne3A_69 = arith.cmpi ne, %rem3A_67, %ne3A_68 : i32
    %and3A_70 = arith.andi %ne3A_66, %ne3A_69 : i1
    %sub3A_71 = arith.constant 1 : i32
    %sub3A_72 = arith.subi %div3A_51, %sub3A_71 : i32
    %select_n3A_73 = arith.select %and3A_70, %sub3A_72, %div3A_51 : i32
    %jit3A_74 = arith.constant 1024 : i32
    %eq3A_75 = arith.constant 0 : i32
    %eq3A_76 = arith.cmpi eq, %jit3A_74, %eq3A_75 : i32
    %jit3A_77 = arith.constant 1 : i32
    %select_n3A_78 = arith.select %eq3A_76, %jit3A_77, %jit3A_74 : i32
    %rem3A_79 = arith.remsi %mul3A_49, %select_n3A_78 : i32
    %ne3A_80 = arith.constant 0 : i32
    %ne3A_81 = arith.cmpi ne, %rem3A_79, %ne3A_80 : i32
    %lt3A_82 = arith.constant 0 : i32
    %lt3A_83 = arith.cmpi slt, %rem3A_79, %lt3A_82 : i32
    %lt3A_84 = arith.constant 0 : i32
    %lt3A_85 = arith.cmpi slt, %select_n3A_78, %lt3A_84 : i32
    %ne3A_86 = arith.xori %lt3A_83, %lt3A_85 : i1
    %and3A_87 = arith.andi %ne3A_86, %ne3A_81 : i1
    %add3A_88 = arith.addi %rem3A_79, %select_n3A_78 : i32
    %select_n3A_89 = arith.select %and3A_87, %add3A_88, %rem3A_79 : i32
    "tpu.region"() ({
      %run_scoped3A_105 = tpu.sem_alloc : memref<!tpu.dma_semaphore, #tpu.memory_space<semaphore_mem>>
      %dma_start3A_106 = tpu.memref_slice %arg5[%select_n3A_73, %select_n3A_89] : memref<8x1024xi32, #tpu.memory_space<hbm>> -> memref<1x256xi32, #tpu.memory_space<hbm>>
      %dma_start3A_107 = tpu.memref_squeeze %dma_start3A_106 : memref<1x256xi32, #tpu.memory_space<hbm>> -> memref<256xi32, #tpu.memory_space<hbm>>
      %dma_start3A_108 = tpu.memref_slice %arg5[%select_n3A_73, %select_n3A_89] : memref<8x1024xi32, #tpu.memory_space<hbm>> -> memref<1x256xi32, #tpu.memory_space<hbm>>
      %dma_start3A_109 = tpu.memref_squeeze %dma_start3A_108 : memref<1x256xi32, #tpu.memory_space<hbm>> -> memref<256xi32, #tpu.memory_space<hbm>>
      tpu.enqueue_dma source(%arg6 : memref<256xi32, #tpu.memory_space<vmem>>) target(%dma_start3A_109 : memref<256xi32, #tpu.memory_space<hbm>>) target_semaphore(%run_scoped3A_105 : memref<!tpu.dma_semaphore, #tpu.memory_space<semaphore_mem>>)
      %dma_wait3A_110 = tpu.memref_slice %arg5[%select_n3A_73, %select_n3A_89] : memref<8x1024xi32, #tpu.memory_space<hbm>> -> memref<1x256xi32, #tpu.memory_space<hbm>>
      %dma_wait3A_111 = tpu.memref_squeeze %dma_wait3A_110 : memref<1x256xi32, #tpu.memory_space<hbm>> -> memref<256xi32, #tpu.memory_space<hbm>>
      %dma_wait3A_112 = tpu.memref_slice %arg5[%select_n3A_73, %select_n3A_89] : memref<8x1024xi32, #tpu.memory_space<hbm>> -> memref<1x256xi32, #tpu.memory_space<hbm>>
      %dma_wait3A_113 = tpu.memref_squeeze %dma_wait3A_112 : memref<1x256xi32, #tpu.memory_space<hbm>> -> memref<256xi32, #tpu.memory_space<hbm>>
      tpu.wait_dma2 semaphore(%run_scoped3A_105 : memref<!tpu.dma_semaphore, #tpu.memory_space<semaphore_mem>>) src(%arg6 : memref<256xi32, #tpu.memory_space<vmem>>) dst(%dma_wait3A_113 : memref<256xi32, #tpu.memory_space<hbm>>)
      tpu.yield
    }) : () -> ()
    %dma_wait3A = arith.constant 0 : i32
    %dma_wait3A_90 = arith.constant 0 : i32
    %dma_wait3A_91 = tpu.memref_slice %arg7[%dma_wait3A, %dma_wait3A_90] : memref<256x128xf32, #tpu.memory_space<vmem>> -> memref<128x128xf32, #tpu.memory_space<vmem>>
    %dma_wait3A_92 = arith.constant 0 : i32
    %dma_wait3A_93 = tpu.memref_slice %arg6[%dma_wait3A_92] : memref<256xi32, #tpu.memory_space<vmem>> -> memref<128xi32, #tpu.memory_space<vmem>>
    %dma_wait3A_94 = arith.constant 0 : i32
    %dma_wait3A_95 = arith.constant 0 : i32
    %dma_wait3A_96 = tpu.memref_slice %arg2[%dma_wait3A_94, %dma_wait3A_95] : memref<8192x128xf32, #tpu.memory_space<hbm>> -> memref<8192x128xf32, #tpu.memory_space<hbm>>
    tpu.wait_indirect_dma semaphore(%arg8 : memref<!tpu.dma_semaphore, #tpu.memory_space<semaphore_mem>>) src(%dma_wait3A_96 : memref<8192x128xf32, #tpu.memory_space<hbm>>) dst(%dma_wait3A_91 : memref<128x128xf32, #tpu.memory_space<vmem>>)
    %dma_wait3A_97 = arith.constant 128 : i32
    %dma_wait3A_98 = arith.constant 0 : i32
    %dma_wait3A_99 = tpu.memref_slice %arg7[%dma_wait3A_97, %dma_wait3A_98] : memref<256x128xf32, #tpu.memory_space<vmem>> -> memref<128x128xf32, #tpu.memory_space<vmem>>
    %dma_wait3A_100 = arith.constant 128 : i32
    %dma_wait3A_101 = tpu.memref_slice %arg6[%dma_wait3A_100] : memref<256xi32, #tpu.memory_space<vmem>> -> memref<128xi32, #tpu.memory_space<vmem>>
    %dma_wait3A_102 = arith.constant 0 : i32
    %dma_wait3A_103 = arith.constant 0 : i32
    %dma_wait3A_104 = tpu.memref_slice %arg2[%dma_wait3A_102, %dma_wait3A_103] : memref<8192x128xf32, #tpu.memory_space<hbm>> -> memref<8192x128xf32, #tpu.memory_space<hbm>>
    tpu.wait_indirect_dma semaphore(%arg8 : memref<!tpu.dma_semaphore, #tpu.memory_space<semaphore_mem>>) src(%dma_wait3A_104 : memref<8192x128xf32, #tpu.memory_space<hbm>>) dst(%dma_wait3A_99 : memref<128x128xf32, #tpu.memory_space<vmem>>)
    "tpu.region"() ({
      %run_scoped3A_105 = tpu.sem_alloc : memref<!tpu.dma_semaphore, #tpu.memory_space<semaphore_mem>>
      %dma_start3A_106 = arith.constant 0 : i32
      %dma_start3A_107 = tpu.memref_slice %arg4[%mul3A_49, %dma_start3A_106] : memref<8192x128xf32, #tpu.memory_space<hbm>> -> memref<256x128xf32, #tpu.memory_space<hbm>>
      %dma_start3A_108 = arith.constant 0 : i32
      %dma_start3A_109 = tpu.memref_slice %arg4[%mul3A_49, %dma_start3A_108] : memref<8192x128xf32, #tpu.memory_space<hbm>> -> memref<256x128xf32, #tpu.memory_space<hbm>>
      tpu.enqueue_dma source(%arg7 : memref<256x128xf32, #tpu.memory_space<vmem>>) target(%dma_start3A_109 : memref<256x128xf32, #tpu.memory_space<hbm>>) target_semaphore(%run_scoped3A_105 : memref<!tpu.dma_semaphore, #tpu.memory_space<semaphore_mem>>)
      %dma_wait3A_110 = arith.constant 0 : i32
      %dma_wait3A_111 = tpu.memref_slice %arg4[%mul3A_49, %dma_wait3A_110] : memref<8192x128xf32, #tpu.memory_space<hbm>> -> memref<256x128xf32, #tpu.memory_space<hbm>>
      %dma_wait3A_112 = arith.constant 0 : i32
      %dma_wait3A_113 = tpu.memref_slice %arg4[%mul3A_49, %dma_wait3A_112] : memref<8192x128xf32, #tpu.memory_space<hbm>> -> memref<256x128xf32, #tpu.memory_space<hbm>>
      tpu.wait_dma2 semaphore(%run_scoped3A_105 : memref<!tpu.dma_semaphore, #tpu.memory_space<semaphore_mem>>) src(%arg7 : memref<256x128xf32, #tpu.memory_space<vmem>>) dst(%dma_wait3A_113 : memref<256x128xf32, #tpu.memory_space<hbm>>)
      tpu.yield
    }) : () -> ()
    return
  }
}

module attributes {stable_mosaic.version = 14 : i64} {
  func.func @_argmax_body(%arg0: i32, %arg1: memref<1x1024x32xf32, #tpu.memory_space<vmem>>, %arg2: memref<8192x32xf32, #tpu.memory_space<vmem>>, %arg3: memref<1x1x1024xi32, #tpu.memory_space<vmem>>, %arg4: memref<1024x128xf32, #tpu.memory_space<vmem>>, %arg5: memref<8192x32xf32, #tpu.memory_space<vmem>>) attributes {dimension_semantics = [#tpu.dimension_semantics<arbitrary>], iteration_bounds = array<i64: 8>, scalar_prefetch = 0 : i64, scratch_operands = 1 : i64, tpu.core_type = #tpu.core_type<tc>, window_params = [{transform_indices = @transform_0, window_bounds = array<i64: 1, 1024, 32>}, {pipeline_mode = #tpu.pipeline_mode<synchronous>, transform_indices = @transform_1, window_bounds = array<i64: 8192, 32>}, {transform_indices = @transform_2, window_bounds = array<i64: 1, 1, 1024>}, {transform_indices = @transform_3, window_bounds = array<i64: 1024, 128>}]} {
    %eq3A = arith.constant 0 : i32
    %eq3A_0 = arith.cmpi eq, %arg0, %eq3A : i32
    %convert_element_type3A = arith.extui %eq3A_0 : i1 to i32
    %cond3A = arith.constant 0 : i32
    %cond3A_1 = arith.cmpi ne, %convert_element_type3A, %cond3A : i32
    scf.if %cond3A_1 {
      %get3A_29 = arith.constant 0 : index
      %get3A_30 = arith.constant 0 : index
      %get3A_31 = vector.load %arg2[%get3A_29, %get3A_30] : memref<8192x32xf32, #tpu.memory_space<vmem>>, vector<8192x32xf32>
      %mul3A_32 = arith.mulf %get3A_31, %get3A_31 : vector<8192x32xf32>
      %reduce_sum3A_33 = arith.constant dense<0.000000e+00> : vector<8192xf32>
      %reduce_sum3A_34 = vector.multi_reduction <add>, %mul3A_32, %reduce_sum3A_33 [1] : vector<8192x32xf32> to vector<8192xf32>
      %broadcast_in_dim3A_35 = vector.shape_cast %reduce_sum3A_34 : vector<8192xf32> to vector<8192x1xf32>
      %sqrt3A_36 = math.sqrt %broadcast_in_dim3A_35 : vector<8192x1xf32>
      %max3A_37 = arith.constant 9.99999996E-13 : f32
      %max3A_38 = vector.broadcast %max3A_37 : f32 to vector<8192x1xf32>
      %max3A_39 = arith.maximumf %sqrt3A_36, %max3A_38 : vector<8192x1xf32>
      %div3A_40 = vector.broadcast %max3A_39 : vector<8192x1xf32> to vector<8192x32xf32>
      %div3A_41 = arith.divf %get3A_31, %div3A_40 : vector<8192x32xf32>
      %swap3A_42 = arith.constant 0 : index
      %swap3A_43 = arith.constant 0 : index
      %swap3A_44 = vector.load %arg5[%swap3A_42, %swap3A_43] : memref<8192x32xf32, #tpu.memory_space<vmem>>, vector<8192x32xf32>
      tpu.vector_store %arg5[%swap3A_42, %swap3A_43], %div3A_41 {strides = array<i32>} : memref<8192x32xf32, #tpu.memory_space<vmem>>, vector<8192x32xf32>,
    } else {
    }
    %get3A = arith.constant 0 : index
    %get3A_2 = arith.constant 0 : index
    %get3A_3 = arith.constant 0 : index
    %get3A_4 = vector.load %arg1[%get3A, %get3A_2, %get3A_3] : memref<1x1024x32xf32, #tpu.memory_space<vmem>>, vector<1x1024x32xf32>
    %get3A_5 = vector.shape_cast %get3A_4 : vector<1x1024x32xf32> to vector<1024x32xf32>
    %mul3A = arith.mulf %get3A_5, %get3A_5 : vector<1024x32xf32>
    %reduce_sum3A = arith.constant dense<0.000000e+00> : vector<1024xf32>
    %reduce_sum3A_6 = vector.multi_reduction <add>, %mul3A, %reduce_sum3A [1] : vector<1024x32xf32> to vector<1024xf32>
    %broadcast_in_dim3A = vector.shape_cast %reduce_sum3A_6 : vector<1024xf32> to vector<1024x1xf32>
    %sqrt3A = math.sqrt %broadcast_in_dim3A : vector<1024x1xf32>
    %max3A = arith.constant 9.99999996E-13 : f32
    %max3A_7 = vector.broadcast %max3A : f32 to vector<1024x1xf32>
    %max3A_8 = arith.maximumf %sqrt3A, %max3A_7 : vector<1024x1xf32>
    %div3A = vector.broadcast %max3A_8 : vector<1024x1xf32> to vector<1024x32xf32>
    %div3A_9 = arith.divf %get3A_5, %div3A : vector<1024x32xf32>
    %get3A_10 = arith.constant 0 : index
    %get3A_11 = arith.constant 0 : index
    %get3A_12 = vector.load %arg5[%get3A_10, %get3A_11] : memref<8192x32xf32, #tpu.memory_space<vmem>>, vector<8192x32xf32>
    %dot_general3A = arith.constant dense<0.000000e+00> : vector<1024x8192xf32>
    %dot_general3A_13 = tpu.matmul %div3A_9, %get3A_12, %dot_general3A {dimension_numbers = #tpu.dot_dimension_numbers<[1], [1], [0], [0], [0, 0, 1, 0], [], []>, transpose_lhs_hint = false} : vector<1024x32xf32>, vector<8192x32xf32>, vector<1024x8192xf32> -> vector<1024x8192xf32>
    %argmax3A = tpu.reduce_index %dot_general3A_13 {axis = 1 : i32, kind = #tpu.reduction_kind<arg_max>} : vector<1024x8192xf32> -> vector<1024xi32>
    %swap3A = arith.constant 0 : index
    %swap3A_14 = arith.constant 0 : index
    %swap3A_15 = arith.constant 0 : index
    %swap3A_16 = vector.load %arg3[%swap3A, %swap3A_14, %swap3A_15] : memref<1x1x1024xi32, #tpu.memory_space<vmem>>, vector<1x1x1024xi32>
    %swap3A_17 = vector.shape_cast %swap3A_16 : vector<1x1x1024xi32> to vector<1024xi32>
    %swap3A_18 = vector.shape_cast %argmax3A : vector<1024xi32> to vector<1x1x1024xi32>
    tpu.vector_store %arg3[%swap3A, %swap3A_14, %swap3A_15], %swap3A_18 {strides = array<i32>} : memref<1x1x1024xi32, #tpu.memory_space<vmem>>, vector<1x1x1024xi32>,
    %mul3A_19 = arith.constant 1024 : i32
    %mul3A_20 = arith.muli %arg0, %mul3A_19 : i32
    %get3A_21 = arith.index_cast %mul3A_20 : i32 to index
    %get3A_22 = arith.constant 0 : index
    %get3A_23 = vector.load %arg2[%get3A_21, %get3A_22] : memref<8192x32xf32, #tpu.memory_space<vmem>>, vector<1024x32xf32>
    %jit3A = arith.constant 0 : i32
    %convert_element_type3A_24 = arith.sitofp %jit3A : i32 to f32
    %pad3A = vector.broadcast %convert_element_type3A_24 : f32 to vector<1024x96xf32>
    %pad3A_25 = tpu.concatenate %get3A_23, %pad3A in 1 : vector<1024x32xf32>, vector<1024x96xf32> -> vector<1024x128xf32>
    %swap3A_26 = arith.constant 0 : index
    %swap3A_27 = arith.constant 0 : index
    %swap3A_28 = vector.load %arg4[%swap3A_26, %swap3A_27] : memref<1024x128xf32, #tpu.memory_space<vmem>>, vector<1024x128xf32>
    tpu.vector_store %arg4[%swap3A_26, %swap3A_27], %pad3A_25 {strides = array<i32>} : memref<1024x128xf32, #tpu.memory_space<vmem>>, vector<1024x128xf32>,
    return
  }
  func.func @transform_0(%arg0: i32) -> (i32, i32, i32) {
    %c0_i32 = arith.constant 0 : i32
    %c0_i32_0 = arith.constant 0 : i32
    %c0_i32_1 = arith.constant 0 : i32
    return %arg0, %c0_i32, %c0_i32_0 : i32, i32, i32
  }
  func.func @transform_1(%arg0: i32) -> (i32, i32) {
    %c0_i32 = arith.constant 0 : i32
    %c0_i32_0 = arith.constant 0 : i32
    %c0_i32_1 = arith.constant 0 : i32
    return %c0_i32, %c0_i32_0 : i32, i32
  }
  func.func @transform_2(%arg0: i32) -> (i32, i32, i32) {
    %c0_i32 = arith.constant 0 : i32
    %c0_i32_0 = arith.constant 0 : i32
    %c0_i32_1 = arith.constant 0 : i32
    return %arg0, %c0_i32, %c0_i32_0 : i32, i32, i32
  }
  func.func @transform_3(%arg0: i32) -> (i32, i32) {
    %c0_i32 = arith.constant 0 : i32
    %c0_i32_0 = arith.constant 0 : i32
    return %arg0, %c0_i32 : i32, i32
  }
}

</mosaic_0001>

<sc_bundles>
// kernel: kernel.4.cloned.1.call-start
scs
__scs_entry_jumppad:
0x0: {  	(pc) =	sbr.rel $0x88, $3  }
0x1: {  	(tag) =	ssettag $0x0;
	lr =	simm.s32 $0x1  }
0x2: {  	[smem:$0x3F9F] =	sst lr;
	_ =	strace $0xD0000000  }
0x3: {  	_ = 	snop  }
0x4: {  	_ = 	snop  }
0x5: {  	_ = 	snop  }
0x6: {  	_ = 	snop  }
0x7: {  	_ = 	snop  }
__scs_overlays_trampoline_lowered:
0x8: {  	[smem:$0x3FAE] =	sst s0  }
0x9: {  	[smem:$0x3FAF] =	sst s1  }
0xa: {  	[smem:$0x3FB0] =	sst s2  }
0xb: {  	[smem:$0x3FB1] =	sst s3  }
0xc: {  	[smem:$0x3FB2] =	sst s4  }
0xd: {  	[smem:$0x3FB3] =	sst s5  }
0xe: {  	[smem:$0x3FB4] =	sst s6  }
0xf: {  	[smem:$0x3FB5] =	sst s7  }
0x10: {  	[smem:$0x3FB6] =	sst s8  }
0x11: {  	[smem:$0x3FB7] =	sst s9;
	s0 =	simm.s32 @!p0 $0x0  }
0x12: {  	s1 =	sld [smem:$0x3F9D];
	s0 =	simm.s32 @p0 $0x1  }
0x13: {  	[smem:$0x3FB8] =	sst s0;
	s0 =	simm.s32 @!p1 $0x0  }
0x14: {  	s2 =	sld [smem:$0x3F9C];
	s0 =	simm.s32 @p1 $0x1  }
0x15: {  	[smem:$0x3FB9] =	sst s0;
	s0 =	simm.s32 @!p2 $0x0  }
0x16: {  	s3 =	sld [smem:$0x3FDB];
	s0 =	simm.s32 @p2 $0x1  }
0x17: {  	s4 =	simm.s32 $0x1BF5;
	[smem:$0x3FBB] =	sst s0  }
0x18: {  	s0 =	sld [smem:$0x3F9E];
	_ =	swait.ge [sflag:s4], $0x0  }
0x19: {  	s7 =	sld [smem:$0x3F9F]  }
0x1a: {  	s8 =	sadd.s32 $0xFFFFE003, lr  }
0x1b: {  	s9 =	sadd.s32 $0xFFFFFEF7, lr;
	s5 =	simm.s32 $0xFFFFFFFF;
	p2 =	slt.u32 s8, $0xFFFFF086  }
0x1c: {  	p1 =	slt.u32 s9, $0xF7A;
	s5 =	simm.s32 @!p2 $0x0  }
0x1d: {  	s5 =	simm.s32 @p1 $0x1;
	p0 =	seq.s32 s7, s2  }
0x1e: {  	s7 =	smul.u32 @!p0 $0xF7A, s2;
	p2 =	seq.s32 @!p0 s5, $0x0  }
0x1f: {  	s9 =	smul.u32 $0xF7A, s1;
	s8 =	simm.s32 @!p0 $0x1BF5;
	p2 =	por !p2, p0  }
0x20: {  	[sflag:s8] =	ssyncset.s32 @!p0 $0xFFFFF086;
	s6 =	sadd.s32 @!p0 s3, s7;
	s7 =	simm.s32 @!p0 $0x108  }
0x21: {  	s3 =	sadd.s32 s3, s9;
	s6 =	sadd.s32 @!p0 $0x88, s6;
	s7 =	simm.s32 @p2 $0x1082  }
0x22: {  	[simem:s7], [sflag:s8] =	dma.local @!p0 [hbm:s6], $0xF7A  }
0x23: {  	s9 =	sor.u32 $0xD0000000, s2;
	s6 =	simm.s32 $0x108;
	_ =	swait.ge @!p0 [sflag:s8], $0x0  }
0x24: {  	s3 =	sadd.s32 $0x88, s3;
	s6 =	simm.s32 @!p1 $0x1082;
	[sflag:s4] =	ssyncset.s32 $0xFFFFF086  }
0x25: {  	[simem:s6], [sflag:s4] =	dma.local [hbm:s3], $0xF7A  }
0x26: {  	[smem:$0x3F9F] =	sst s1;
	(tag) =	ssettag s2;
	_ =	strace s9  }
0x27: {  	s1 =	sld [smem:$0x3FAF]  }
0x28: {  	s2 =	sld [smem:$0x3FB0]  }
0x29: {  	s4 =	sld [smem:$0x3FB2]  }
0x2a: {  	p0 =	seq.s32 s5, $0x0;
	s5 =	sld [smem:$0x3FB3]  }
0x2b: {  	s6 =	sld [smem:$0x3FB4]  }
0x2c: {  	s7 =	sld [smem:$0x3FB5]  }
0x2d: {  	s3 =	simm.s32 $0x108;
	s8 =	sld [smem:$0x3FB6]  }
0x2e: {  	s3 =	simm.s32 @!p0 $0x1082;
	s9 =	sld [smem:$0x3FB7]  }
0x2f: {  	lr =	sadd.s32 s0, s3;
	s0 =	sld [smem:$0x3FAE]  }
0x30: {  	s3 =	sld [smem:$0x3FB1]  }
0x31: {  	[smem:$0x3FBA] =	sst s10  }
0x32: {  	s10 =	sld [smem:$0x3FB8];
	_ =	sdelay $0x3  }
0x33: {  	p0 =	seq.s32 s10, $0x1;
	s10 =	sld [smem:$0x3FBA];
	_ =	sdelay $0x3  }
0x34: {  	[smem:$0x3FBA] =	sst s10  }
0x35: {  	s10 =	sld [smem:$0x3FB9];
	_ =	sdelay $0x3  }
0x36: {  	p1 =	seq.s32 s10, $0x1;
	s10 =	sld [smem:$0x3FBA];
	_ =	sdelay $0x3  }
0x37: {  	[smem:$0x3FBA] =	sst s10  }
0x38: {  	s10 =	sld [smem:$0x3FBB]  }
0x39: {  	_ = 	snop;
	(pc) =	sbr.ind lr, $3  }
0x3a: {  	_ = 	snop  }
0x3b: {  	_ = 	snop  }
0x3c: {  	p2 =	seq.s32 s10, $0x1;
	s10 =	sld [smem:$0x3FBA]  }
0x3d: {  	_ =	shalt  }
0x3e: {  	_ =	shalt  }
0x3f: {  	_ =	shalt  }
0x40: {  	_ =	shalt  }
0x41: {  	_ =	shalt  }
0x42: {  	_ =	shalt  }
0x43: {  	_ =	shalt  }
0x44: {  	_ =	shalt  }
0x45: {  	_ =	shalt  }
0x46: {  	_ =	shalt  }
0x47: {  	_ =	shalt  }
0x48: {  	_ =	shalt  }
0x49: {  	_ =	shalt  }
0x4a: {  	_ =	shalt  }
0x4b: {  	_ =	shalt  }
0x4c: {  	_ =	shalt  }
0x4d: {  	_ =	shalt  }
0x4e: {  	_ =	shalt  }
0x4f: {  	_ =	shalt  }
0x50: {  	_ =	shalt  }
0x51: {  	_ =	shalt  }
0x52: {  	_ =	shalt  }
0x53: {  	_ =	shalt  }
0x54: {  	_ =	shalt  }
0x55: {  	_ =	shalt  }
0x56: {  	_ =	shalt  }
0x57: {  	_ =	shalt  }
0x58: {  	_ =	shalt  }
0x59: {  	_ =	shalt  }
0x5a: {  	_ =	shalt  }
0x5b: {  	_ =	shalt  }
0x5c: {  	_ =	shalt  }
0x5d: {  	_ =	shalt  }
0x5e: {  	_ =	shalt  }
0x5f: {  	_ =	shalt  }
0x60: {  	_ =	shalt  }
0x61: {  	_ =	shalt  }
0x62: {  	_ =	shalt  }
0x63: {  	_ =	shalt  }
0x64: {  	_ =	shalt  }
0x65: {  	_ =	shalt  }
0x66: {  	_ =	shalt  }
0x67: {  	_ =	shalt  }
0x68: {  	_ =	shalt  }
0x69: {  	_ =	shalt  }
0x6a: {  	_ =	shalt  }
0x6b: {  	_ =	shalt  }
0x6c: {  	_ =	shalt  }
0x6d: {  	_ =	shalt  }
0x6e: {  	_ =	shalt  }
0x6f: {  	_ =	shalt  }
0x70: {  	_ =	shalt  }
0x71: {  	_ =	shalt  }
0x72: {  	_ =	shalt  }
0x73: {  	_ =	shalt  }
0x74: {  	_ =	shalt  }
0x75: {  	_ =	shalt  }
0x76: {  	_ =	shalt  }
0x77: {  	_ =	shalt  }
0x78: {  	_ =	shalt  }
0x79: {  	_ =	shalt  }
0x7a: {  	_ =	shalt  }
0x7b: {  	_ =	shalt  }
0x7c: {  	_ =	shalt  }
0x7d: {  	_ =	shalt  }
0x7e: {  	_ =	shalt  }
0x7f: {  	_ =	shalt  }
0x80: {  	_ =	shalt  }
0x81: {  	_ =	shalt  }
0x82: {  	_ =	shalt  }
0x83: {  	_ =	shalt  }
0x84: {  	_ =	shalt  }
0x85: {  	_ =	shalt  }
0x86: {  	_ =	shalt  }
0x87: {  	_ =	shalt  }
.Lfunc_end0:
.L_simem_size_0:
called_computation_lowered:
.L_overlay_start_0:
0x88: {  	s2 =	sld [smem:$0x3FD9]  }
0x89: {  	s3 =	sld [smem:$0x3FFE];
	_ =	sdelay $0x1  }
0x8a: {  	s1 =	srdreg.scid  }
0x8b: {  	s0 =	sand.u32 $0x1, s1  }
0x8c: {  	s14 =	sshll.u32 s0, $0xA;
	s2 =	sadd.s32 s3, s2  }
0x8d: {  	s2 =	sadd.s32 s2, s14  }
0x8e: {  	[smem:$0x3FC6] =	sst s2  }
0x8f: {  	_ = 	snop  }
0x90: {  	s2 =	sld [smem:$0x3FD0];
	_ =	sdelay $0x2  }
0x91: {  	s15 =	simm.s32 $0xA;
	s4 =	simm.s32 $0x10  }
0x92: {  	[smem:s4], [sflag:s15] =	dma.local [hbm:s2], $0x1  }
0x93: {  	_ =	swait.eq [sflag:s15], $0x1  }
0x94: {  	[sflag:s15] =	ssyncset.done $0x0  }
0x95: {  	s16 =	sld [smem:$0x10];
	[sflag:s15] =	ssyncadd.s32 $0xFFFFFFFF  }
0x96: {  	s17 =	sld [smem:$0x11];
	(tm) =	ssettm $0x1  }
0x97: {  	s18 =	sld [smem:$0x3FFB];
	_ =	sdelay $0x3  }
0x98: {  	_ =	strace s18  }
0x99: {  	s4 =	sld [smem:$0x3FFC];
	_ =	sdelay $0x3  }
0x9a: {  	_ =	strace s4  }
0x9b: {  	s4 =	sld [smem:$0x3FFD];
	_ =	sdelay $0x3  }
0x9c: {  	_ =	strace s4  }
0x9d: {  	_ =	strace $0x8FFFFFFF  }
0x9e: {  	s19 =	sld [smem:$0x3FDB];
	_ =	sdelay $0x1  }
0x9f: {  	s5 =	simm.s32 $_scs_section_size  }
0xa0: {  	s6 =	simm.s32 $_size__tile_overlayer_lowered;
	s7 =	simm.s32 $_tile_overlayer_lowered  }
0xa1: {  	s22 =	simm.s32 $0x1BFF;
	s21 =	sshll.u32 s7, $0x1;
	s4 =	sadd.s32 s5, s19  }
0xa2: {  	s8 =	simm.s32 $0x0;
	s20 =	sshll.u32 s6, $0x1;
	s6 =	sadd.s32 s21, s4  }
0xa3: {  	[timem:s8], [sflag:s22] =	dma.local [hbm:s6], s20  }
0xa4: {  	_ =	swait.ge [sflag:s22], s20  }
0xa5: {  	s5 =	ssub.s32 $0x0, s20;
	[sflag:s22] =	ssyncset.done $0x0  }
0xa6: {  	[sflag:s22] =	ssyncadd.s32 s5;
	_ =	sdelay $0x1  }
0xa7: {  	s23 =	simm.s32 $0x1B8B  }
0xa8: {  	_ =	swait.ge [sflag:s23], $0x1  }
0xa9: {  	[sflag:s23] =	ssyncset.done $0x0  }
0xaa: {  	s25 =	simm.s32 $0x1B8E;
	s24 =	sld [smem:$0x3FFE];
	[sflag:s23] =	ssyncadd.s32 $0xFFFFFFFF  }
0xab: {  	s26 =	simm.s32 $execute0_lowered;
	[smem:$0x3FD2] =	sst s25  }
0xac: {  	s6 =	sshll.u32 s26, $0x1;
	_ =	strace $0x80000046;
	[dreg:$0x1] =	wrdreg $0xFFFFFFFF  }
0xad: {  	s28 =	simm.s32 $_size_execute0_lowered;
	s4 =	sadd.s32 s4, s6;
	[dreg:$0x0] =	wrdreg $0x0  }
0xae: {  	s6 =	sshll.u32 s28, $0x1;
	[dreg:$0x2] =	wrdreg s4  }
0xaf: {  	[dreg:$0x3] =	wrdreg s6  }
0xb0: {  	[dreg:$0x4] =	wrdreg $0xC0  }
0xb1: {  	_ =	task [dreg:s8], $0x5FFFF  }
0xb2: {  	[dreg:$0x1] =	wrdreg $0xFFFFFFFF  }
0xb3: {  	[dreg:$0x0] =	wrdreg $0x60  }
0xb4: {  	[dreg:$0x2] =	wrdreg s24  }
0xb5: {  	[dreg:$0x3] =	wrdreg s16  }
0xb6: {  	[dreg:$0x4] =	wrdreg s17  }
0xb7: {  	[dreg:$0x5] =	wrdreg $0x9  }
0xb8: {  	_ =	task.clear_ibuf [dreg:s8], $0x6FFFF;
	_ =	strace $0x90000046  }
0xb9: {  	s29 =	simm.s32 $0x9;
	_ =	strace $0x80000048  }
0xba: {  	_ =	swait.ge [sflag:s29], $0x1  }
0xbb: {  	[sflag:s29] =	ssyncadd.s32 $0xFFFFFFFF  }
0xbc: {  	_ =	strace $0x90000048  }
0xbd: {  	_ =	sfence  }
0xbe: {  	s30 =	sld [smem:$0x0];
	_ =	sdelay $0x2  }
0xbf: {  	s31 =	sshll.u32 s1, $0xD;
	s1 =	sshrl.u32 s1, $0x2  }
0xc0: {  	s3 =	sand.u32 $0x4000, s31;
	s1 =	sadd.s32 s1, s30  }
0xc1: {  	s0 =	sor.u32 s3, s0;
	s1 =	sshll.u32 s1, $0x11  }
0xc2: {  	s0 =	sor.u32 s1, s0  }
0xc3: {  	s0 =	sadd.s32 $0x8F2B, s0  }
0xc4: {  	[sflag:s0] =	ssyncadd.remote.s32 $0x1  }
0xc5: {  	_ =	sfence.sel $0xFFFF  }
0xc6: {  	[dreg:$0x0] =	wrdreg $0xFFFFFFFF;
	(pc) =	sbr.abs _section_cstart, $3  }
0xc7: {  	[dreg:$0x1] =	wrdreg $0xFFFFFFFF  }
0xc8: {  	_ =	task.clear_ibuf [dreg:s8], $0x2FFFF;
	_ =	strace $0x9FFFFFFF  }
0xc9: {  	(tm) =	ssettm $0x7FFFFFFF  }
tec
execute0_lowered:
.L_overlay_start_1:
0x0: {  	(tag) =	ssettag $0x1  }
0x1: {  	s12 =	rddreg [dreg:$0x0]  }
0x2: {  	s3 =	rddreg [dreg:$0x1]  }
0x3: {  	s1 =	srdreg.scid;
	s0 =	stileid.u32  }
0x4: {  	s8 =	rddreg [dreg:$0x2];
	s13 =	sand.u32 $0x1, s1;
	s2 =	sshll.u32 s0, $0x1  }
0x5: {  	s1 =	rddreg [dreg:$0x3];
	s4 =	sshll.u32 s0, $0x6;
	s14 =	sor.u32 s13, s2  }
0x6: {  	s2 =	simm.s32 $0x0;
	s4 =	sand.u32 $0x380, s4;
	s5 =	sshll.u32 s14, $0x5  }
0x7: {  	[smem:$0x7FF] =	sst s2;
	s3 =	sadd.s32 s3, s4;
	s5 =	sand.u32 $0x60, s5  }
0x8: {  	_ =	strace $0x80000047;
	s4 =	sadd.s32 s5, s3;
	s3 =	simm.s32 $0x2  }
0x9: {  	[tilespmem:s2], [sflag:$0x2] =	stream.linear.gather [hbm4b:s4+s2], $0x100, $0x38;
	[tilespmem:$0x8100] =	vst v63  }
0xa: {  	s7 =	simm.s32 $0x100;
	s6 =	sshll.u32 s0, $0x3;
	_ =	swait.ge [sflag:s3], $0x100  }
0xb: {  	s10 =	sand.u32 $0x70, s6;
	s6 =	simm.s32 $0x80;
	[sflag:s3] =	ssyncset.done $0x0  }
0xc: {  	s9 =	sshll.u32 s14, $0x8;
	s5 =	sadd.s32 $0x1000, s12;
	[sflag:s3] =	ssyncadd.s32 $0xFFFFFF00  }
0xd: {  	[tilespmem:s7], [sflag:$0x1] =	stream.indirect.gather [hbm4b:s5+s6], $0x80, s2, s6, $0xb8;
	[tilespmem:$0x8100] =	vst v63  }
0xe: {  	s10 =	sadd.s32 s8, s10;
	s8 =	simm.s32 $0x4100;
	s9 =	sand.u32 $0x300, s9  }
0xf: {  	[tilespmem:s8], [sflag:$0x1] =	stream.indirect.gather [hbm4b:s5+s6], $0x80, s6, s6, $0xb8;
	[tilespmem:$0x8100] =	vst v63  }
0x10: {  	s9 =	sadd.s32 s9, s10;
	s10 =	simm.s32 $0x400  }
0x11: {  	[hbm4b:s9+s6] =	stream.strided.scatter [tilespmem:s2], [sflag:$0x2], $0x100, s10, s6, $0x38;
	[tilespmem:$0x8100] =	vst v63  }
0x12: {  	_ =	swait.ge [sflag:s3], $0x100  }
0x13: {  	[sflag:s3] =	ssyncset.done $0x0  }
0x14: {  	s11 =	simm.s32 $0x1;
	s13 =	ssub.s32 $0x2, s13;
	[sflag:s3] =	ssyncadd.s32 $0xFFFFFF00  }
0x15: {  	s15 =	sshrl.u32 s13, $0x1;
	_ =	swait.ge [sflag:s11], $0x4000  }
0x16: {  	s13 =	ssub.s32 s13, s15;
	[sflag:s11] =	ssyncset.done $0x0  }
0x17: {  	s13 =	smax.u32 s13, $0x1;
	[sflag:s11] =	ssyncadd.s32 $0xFFFFC000  }
0x18: {  	s14 =	sshll.u32 s14, $0xC;
	p0 =	sne.s32 s13, $0x1;
	_ =	swait.ge [sflag:s11], $0x4000  }
.Ltmp0:
0x19: {  	s12 =	sadd.s32 s14, s12;
	[sflag:s11] =	ssyncset.done $0x0;
	(pc) =	sbr.rel @!p0 .LBB2_2-.Ltmp0, $4  }
0x1a: {  	s12 =	sadd.s32 $0x21000, s12;
	[sflag:s11] =	ssyncadd.s32 $0xFFFFC000  }
0x1b: {  	[hbm4b:s12+s2] =	stream.linear.scatter [tilespmem:s7], [sflag:$0x2], $0x8000, $0x38;
	[tilespmem:$0x8100] =	vst v63  }
0x1c: {  	_ =	swait.ge [sflag:s3], $0x8000  }
0x1d: {  	s13 =	sadd.s32 $0xFFFFFFFF, s13;
	[sflag:s3] =	ssyncset.done $0x0  }
.LBB2_1:
0x1e: {  	p0 =	sne.s32 s13, $0x1;
	s13 =	sadd.s32 $0xFFFFFFFF, s13;
	[sflag:s3] =	ssyncadd.s32 $0xFFFF8000  }
0x1f: {  	[tilespmem:s2], [sflag:$0x2] =	stream.linear.gather [hbm4b:s4+s2], $0x100, $0x38;
	[tilespmem:$0x8100] =	vst v63  }
0x20: {  	_ =	swait.ge [sflag:s3], $0x100  }
0x21: {  	[sflag:s3] =	ssyncset.done $0x0  }
0x22: {  	[sflag:s3] =	ssyncadd.s32 $0xFFFFFF00  }
0x23: {  	[tilespmem:s7], [sflag:$0x1] =	stream.indirect.gather [hbm4b:s5+s6], $0x80, s2, s6, $0xb8;
	[tilespmem:$0x8100] =	vst v63  }
0x24: {  	_ = 	snop  }
0x25: {  	[tilespmem:s8], [sflag:$0x1] =	stream.indirect.gather [hbm4b:s5+s6], $0x80, s6, s6, $0xb8;
	[tilespmem:$0x8100] =	vst v63  }
0x26: {  	_ = 	snop  }
0x27: {  	[hbm4b:s9+s6] =	stream.strided.scatter [tilespmem:s2], [sflag:$0x2], $0x100, s10, s6, $0x38;
	[tilespmem:$0x8100] =	vst v63  }
0x28: {  	_ =	swait.ge [sflag:s3], $0x100  }
0x29: {  	[sflag:s3] =	ssyncset.done $0x0  }
0x2a: {  	[sflag:s3] =	ssyncadd.s32 $0xFFFFFF00  }
0x2b: {  	_ =	swait.ge [sflag:s11], $0x4000  }
0x2c: {  	[sflag:s11] =	ssyncset.done $0x0  }
0x2d: {  	[sflag:s11] =	ssyncadd.s32 $0xFFFFC000  }
0x2e: {  	_ =	swait.ge [sflag:s11], $0x4000  }
.Ltmp1:
0x2f: {  	[sflag:s11] =	ssyncset.done $0x0;
	(pc) =	sbr.rel @p0 .LBB2_1-.Ltmp1, $4  }
0x30: {  	[sflag:s11] =	ssyncadd.s32 $0xFFFFC000  }
0x31: {  	[hbm4b:s12+s2] =	stream.linear.scatter [tilespmem:s7], [sflag:$0x2], $0x8000, $0x38;
	[tilespmem:$0x8100] =	vst v63  }
0x32: {  	_ =	swait.ge [sflag:s3], $0x8000  }
0x33: {  	[sflag:s3] =	ssyncset.done $0x0  }
.LBB2_2:
0x34: {  	[sflag:s3] =	ssyncadd.s32 $0xFFFF8000  }
0x35: {  	_ =	sfence.sel $0x180000  }
0x36: {  	[bflag:$0x0] =	sbarrier.arrive $0xFFFF  }
0x37: {  	p0 =	sne.s32 s0, $0x0;
	_ =	strace $0x90000047  }
0x38: {  	s0 =	sadd.s32 @!p0 $0x100000, s1;
	[bflag:$0x2] =	sbarrier.arrive $0xFFFF  }
0x39: {  	[sflag:s0] =	ssyncadd.tile.s32 @!p0 $0x1;
	_ =	shalt  }
.Lfunc_end2:
_tile_overlayer_lowered:
.L_overlay_start_2:
0x3a: {  	(tag) =	ssettag $0x2  }
0x3b: {  	s0 =	rddreg [dreg:$0x0];
	s2 =	stileid.u32  }
0x3c: {  	s1 =	rddreg [dreg:$0x1];
	p0 =	sne.s32 s2, $0x0  }
0x3d: {  	s3 =	rddreg [dreg:$0x2];
	[bflag:$0x3] =	sbarrier.arrive $0xFFFF;
	s2 =	simm.s32 @!p0 $0x1C02  }
0x3e: {  	[timem:s3], [sflag:s2] =	dma.local @!p0 [hbm:s0], s1  }
0x3f: {  	s0 =	simm.s32 @!p0 $0x2  }
0x40: {  	_ =	swait.ge @!p0 [sflag:s0], s1  }
0x41: {  	s1 =	ssub.s32 @!p0 $0x0, s1;
	[sflag:s0] =	ssyncset.done @!p0 $0x0  }
0x42: {  	[sflag:s0] =	ssyncadd.s32 @!p0 s1  }
0x43: {  	[bflag:$0x3] =	sbarrier.arrive $0xFFFF  }
0x44: {  	_ =	shalt  }

</sc_bundles>
